<compile_context>
chip_gen: v7x
topology: tpu7x:2x2x1
jax: 0.10.2.dev20260603
libtpu: 0.0.44.dev20260713+nightly
codegen_flags: <defaults>
</compile_context>

<pallas_src>
import functools

import jax
import jax.numpy as jnp
from jax import lax
from jax.experimental import pallas as pl
from jax.experimental.pallas import tpu as pltpu
from jax.experimental.pallas import tpu_sc as plsc

N_CAT = 26
N_CONT = 13
VOCAB = 100000
DIM = 16
B = 16384
N_FIELD = N_CAT + N_CONT
C_PAD = 32

NC = 2
NS = 16
NW = NC * NS
ROWS_PER_W = B // NW
CHUNK = 64
N_CHUNKS = ROWS_PER_W // CHUNK

VB = 2048


def _tc_transpose_body(tab_ref, out_ref):
    x = tab_ref[...]
    y = jnp.concatenate(
        [x.T, jnp.zeros((VB, C_PAD * DIM - N_CAT * DIM), jnp.float32)], axis=1
    )
    out_ref[...] = y.reshape(4 * VB, 128)


def _tc_prep_body(x_ref, lnb_ref, linw_ref, linb_ref, gidx_ref, cont_ref):
    x = x_ref[...]
    offs = lax.broadcasted_iota(jnp.int32, (B, N_CAT), 1)
    gidx_ref[...] = x[:, :N_CAT].astype(jnp.int32) * C_PAD + offs
    c = lnb_ref[...][:, 0:1] * linw_ref[...] + linb_ref[...]
    cont_ref[...] = jnp.broadcast_to(c[None], (CHUNK, N_CONT, DIM))


def _sc_body(table_ref, gidx_ref, cont_ref, out_ref, idx_v, rows_v, sem):
    wid = lax.axis_index("s") * NC + lax.axis_index("c")
    base = wid * ROWS_PER_W
    pltpu.sync_copy(cont_ref, rows_v.at[:, pl.ds(N_CAT, N_CONT)])

    @pl.loop(0, N_CHUNKS)
    def _chunk(c):
        row0 = base + c * CHUNK
        pltpu.sync_copy(gidx_ref.at[pl.ds(row0, CHUNK)], idx_v)

        @pl.loop(0, CHUNK)
        def _fire(lb):
            pltpu.async_copy(
                table_ref.at[idx_v.at[lb]],
                rows_v.at[lb, pl.ds(0, N_CAT)],
                sem,
            )

        @pl.loop(0, CHUNK)
        def _drain(lb):
            pltpu.make_async_copy(
                table_ref.at[idx_v.at[lb]],
                rows_v.at[lb, pl.ds(0, N_CAT)],
                sem,
            ).wait()

        pltpu.sync_copy(rows_v, out_ref.at[pl.ds(row0, CHUNK)])


@jax.jit
def kernel(X, cat_tables, ln_w, ln_b, lin_w, lin_b):
    del ln_w
    table_cv = cat_tables.transpose(0, 2, 1).reshape(N_CAT * DIM, VOCAB)
    n_vb = (VOCAB + VB - 1) // VB
    flat512 = pl.pallas_call(
        _tc_transpose_body,
        grid=(n_vb,),
        in_specs=[pl.BlockSpec((N_CAT * DIM, VB), lambda g: (0, g))],
        out_specs=pl.BlockSpec((4 * VB, 128), lambda g: (g, 0)),
        out_shape=jax.ShapeDtypeStruct((4 * VOCAB, 128), jnp.float32),
    )(table_cv)
    flat_table = flat512.reshape(VOCAB * C_PAD, DIM)

    gidx, cont_rep = pl.pallas_call(
        _tc_prep_body,
        out_shape=(
            jax.ShapeDtypeStruct((B, N_CAT), jnp.int32),
            jax.ShapeDtypeStruct((CHUNK, N_CONT, DIM), jnp.float32),
        ),
    )(X, ln_b, lin_w, lin_b)

    sc = pl.kernel(
        _sc_body,
        out_type=jax.ShapeDtypeStruct((B, N_FIELD, DIM), jnp.float32),
        mesh=plsc.VectorSubcoreMesh(core_axis_name="c", subcore_axis_name="s"),
        compiler_params=pltpu.CompilerParams(use_tc_tiling_on_sc=False),
        scratch_types=[
            pltpu.VMEM((CHUNK, N_CAT), jnp.int32),
            pltpu.VMEM((CHUNK, N_FIELD, DIM), jnp.float32),
            pltpu.SemaphoreType.DMA,
        ],
    )
    out3 = sc(flat_table, gidx, cont_rep)
    return out3.reshape(B, N_CAT * DIM + N_CONT * DIM)

# --- scband reference (transcript-rebuilt; emitter-appended) ---
"""Pipeline reference for scband-bayesian-tab-mlp-72765335929297 (READ-ONLY COPY).

The authoritative reference and input builder live on the scoring server;
editing this copy changes nothing except your own understanding.
"""

import jax, jax.numpy as jnp
import numpy as np

N_CAT = 26
N_CONT = 13
VOCAB = 100000
DIM = 16
B = 16384
EPS = 1e-5


def setup_inputs(seed: int = 0) -> dict:
    key = jax.random.key(seed)
    ks = jax.random.split(key, 4)
    # X holds integer-valued categorical columns (cast to long in forward) and continuous columns
    X = jax.random.randint(ks[0], (B, N_CAT + N_CONT), 0, VOCAB).astype(jnp.float32)
    # nn.Embedding default init ~ N(0,1); one [VOCAB, DIM] table per categorical field
    cat_tables = jax.random.normal(ks[1], (N_CAT, VOCAB, DIM), dtype=jnp.float32)
    # LayerNorm(1) params per continuous column
    ln_w = jnp.ones((N_CONT, 1), dtype=jnp.float32)
    ln_b = jnp.zeros((N_CONT, 1), dtype=jnp.float32)
    # nn.Linear(1, DIM) per continuous column: weight squeezed to [N_CONT, DIM], bias [N_CONT, DIM]
    lin_w = jax.random.normal(ks[2], (N_CONT, DIM), dtype=jnp.float32) * 0.1
    lin_b = jax.random.normal(ks[3], (N_CONT, DIM), dtype=jnp.float32) * 0.1
    return {"X": X, "cat_tables": cat_tables, "ln_w": ln_w, "ln_b": ln_b, "lin_w": lin_w, "lin_b": lin_b}


def reference(X, cat_tables, ln_w, ln_b, lin_w, lin_b):
    b = X.shape[0]
    # categorical embedding lookups: table_j[X[:, j].long()] for each field, concatenated
    cat_idx = X[:, :N_CAT].astype(jnp.int32)  # [B, 26]
    cat_emb = cat_tables[jnp.arange(N_CAT)[None, :], cat_idx]  # [B, 26, 16]
    cat_emb = cat_emb.reshape(b, N_CAT * DIM)
    # continuous: per-column LayerNorm(1) then Linear(1 -> DIM)
    cont = X[:, N_CAT:].astype(jnp.float32)[:, :, None]  # [B, 13, 1]
    mu = jnp.mean(cont, axis=-1, keepdims=True)
    var = jnp.mean((cont - mu) ** 2, axis=-1, keepdims=True)
    norm = (cont - mu) / jnp.sqrt(var + EPS)
    norm = norm * ln_w[None, :, :] + ln_b[None, :, :]  # [B, 13, 1]
    cont_emb = norm[:, :, 0][:, :, None] * lin_w[None, :, :] + lin_b[None, :, :]  # [B, 13, 16]
    cont_emb = cont_emb.reshape(b, N_CONT * DIM)
    return jnp.concatenate([cat_emb, cont_emb], axis=1)  # [B, 624]

if __name__ == "__main__":
    import jax
    _d = setup_inputs()
    print(jax.jit(kernel)(*tuple(_d.values())))

</pallas_src>

<mosaic_0001>
#map = affine_map<(d0, d1) -> (0, 0)>
#map1 = affine_map<(d0, d1) -> (0, 0, 0)>
module attributes {stable_mosaic.version = 14 : i64} {
  func.func @_sc_body(%arg0: i32, %arg1: i32, %arg2: memref<3200000x16xf32, #tpu.memory_space<hbm>>, %arg3: memref<16384x26xi32, #tpu.memory_space<hbm>>, %arg4: memref<64x13x16xf32, #tpu.memory_space<hbm>>, %arg5: memref<16384x39x16xf32, #tpu.memory_space<hbm>>, %arg6: memref<64x26xi32, #tpu.memory_space<vmem>>, %arg7: memref<64x39x16xf32, #tpu.memory_space<vmem>>, %arg8: memref<!tpu.dma_semaphore, #tpu.memory_space<semaphore_mem>>) attributes {dimension_semantics = [#tpu.dimension_semantics<core_parallel>, #tpu.dimension_semantics<subcore_parallel>], iteration_bounds = array<i64: 2, 16>, scalar_prefetch = 0 : i64, scratch_operands = 3 : i64, tpu.core_type = #tpu.core_type<sc_vector_subcore>, window_params = [{transform_indices = #map}, {transform_indices = #map}, {transform_indices = #map1}, {transform_indices = #map1}]} {
    %mul3A = arith.constant 2 : i32
    %mul3A_0 = arith.muli %arg1, %mul3A : i32
    %add3A = arith.addi %mul3A_0, %arg0 : i32
    %mul3A_1 = arith.constant 512 : i32
    %mul3A_2 = arith.muli %add3A, %mul3A_1 : i32
    "tpu.region"() ({
      %run_scoped3A = tpu.sem_alloc : memref<!tpu.dma_semaphore, #tpu.memory_space<semaphore_mem>>
      %dma_start3A = arith.constant 0 : i32
      %dma_start3A_7 = arith.constant 26 : i32
      %dma_start3A_8 = arith.constant 0 : i32
      %dma_start3A_9 = tpu.memref_slice %arg7[%dma_start3A, %dma_start3A_7, %dma_start3A_8] : memref<64x39x16xf32, #tpu.memory_space<vmem>> -> memref<64x13x16xf32, #tpu.memory_space<vmem>>
      %dma_start3A_10 = arith.constant 0 : i32
      %dma_start3A_11 = arith.constant 26 : i32
      %dma_start3A_12 = arith.constant 0 : i32
      %dma_start3A_13 = tpu.memref_slice %arg7[%dma_start3A_10, %dma_start3A_11, %dma_start3A_12] : memref<64x39x16xf32, #tpu.memory_space<vmem>> -> memref<64x13x16xf32, #tpu.memory_space<vmem>>
      tpu.enqueue_dma source(%arg4 : memref<64x13x16xf32, #tpu.memory_space<hbm>>) target(%dma_start3A_13 : memref<64x13x16xf32, #tpu.memory_space<vmem>>) target_semaphore(%run_scoped3A : memref<!tpu.dma_semaphore, #tpu.memory_space<semaphore_mem>>)
      %dma_wait3A = arith.constant 0 : i32
      %dma_wait3A_14 = arith.constant 26 : i32
      %dma_wait3A_15 = arith.constant 0 : i32
      %dma_wait3A_16 = tpu.memref_slice %arg7[%dma_wait3A, %dma_wait3A_14, %dma_wait3A_15] : memref<64x39x16xf32, #tpu.memory_space<vmem>> -> memref<64x13x16xf32, #tpu.memory_space<vmem>>
      %dma_wait3A_17 = arith.constant 0 : i32
      %dma_wait3A_18 = arith.constant 26 : i32
      %dma_wait3A_19 = arith.constant 0 : i32
      %dma_wait3A_20 = tpu.memref_slice %arg7[%dma_wait3A_17, %dma_wait3A_18, %dma_wait3A_19] : memref<64x39x16xf32, #tpu.memory_space<vmem>> -> memref<64x13x16xf32, #tpu.memory_space<vmem>>
      tpu.wait_dma2 semaphore(%run_scoped3A : memref<!tpu.dma_semaphore, #tpu.memory_space<semaphore_mem>>) src(%arg4 : memref<64x13x16xf32, #tpu.memory_space<hbm>>) dst(%dma_wait3A_20 : memref<64x13x16xf32, #tpu.memory_space<vmem>>)
      tpu.yield
    }) : () -> ()
    %scan3A = arith.constant 0 : i32
    %scan3A_3 = arith.constant 8 : i32
    %scan3A_4 = arith.addi %scan3A, %scan3A_3 : i32
    %scan3A_5 = arith.constant 1 : i32
    scf.for %scan3A_7 = %scan3A to %scan3A_4 step %scan3A_5  : i32 {
      %mul3A_8 = arith.constant 1 : i32
      %mul3A_9 = arith.muli %scan3A_7, %mul3A_8 : i32
      %add3A_10 = arith.constant 0 : i32
      %add3A_11 = arith.addi %add3A_10, %mul3A_9 : i32
      %mul3A_12 = arith.constant 64 : i32
      %mul3A_13 = arith.muli %add3A_11, %mul3A_12 : i32
      %add3A_14 = arith.addi %mul3A_2, %mul3A_13 : i32
      "tpu.region"() ({
        %run_scoped3A = tpu.sem_alloc : memref<!tpu.dma_semaphore, #tpu.memory_space<semaphore_mem>>
        %dma_start3A = arith.constant 0 : i32
        %dma_start3A_25 = tpu.memref_slice %arg3[%add3A_14, %dma_start3A] : memref<16384x26xi32, #tpu.memory_space<hbm>> -> memref<64x26xi32, #tpu.memory_space<hbm>>
        %dma_start3A_26 = arith.constant 0 : i32
        %dma_start3A_27 = tpu.memref_slice %arg3[%add3A_14, %dma_start3A_26] : memref<16384x26xi32, #tpu.memory_space<hbm>> -> memref<64x26xi32, #tpu.memory_space<hbm>>
        tpu.enqueue_dma source(%dma_start3A_27 : memref<64x26xi32, #tpu.memory_space<hbm>>) target(%arg6 : memref<64x26xi32, #tpu.memory_space<vmem>>) target_semaphore(%run_scoped3A : memref<!tpu.dma_semaphore, #tpu.memory_space<semaphore_mem>>)
        %dma_wait3A = arith.constant 0 : i32
        %dma_wait3A_28 = tpu.memref_slice %arg3[%add3A_14, %dma_wait3A] : memref<16384x26xi32, #tpu.memory_space<hbm>> -> memref<64x26xi32, #tpu.memory_space<hbm>>
        %dma_wait3A_29 = arith.constant 0 : i32
        %dma_wait3A_30 = tpu.memref_slice %arg3[%add3A_14, %dma_wait3A_29] : memref<16384x26xi32, #tpu.memory_space<hbm>> -> memref<64x26xi32, #tpu.memory_space<hbm>>
        tpu.wait_dma2 semaphore(%run_scoped3A : memref<!tpu.dma_semaphore, #tpu.memory_space<semaphore_mem>>) src(%dma_wait3A_30 : memref<64x26xi32, #tpu.memory_space<hbm>>) dst(%arg6 : memref<64x26xi32, #tpu.memory_space<vmem>>)
        tpu.yield
      }) : () -> ()
      %scan3A_15 = arith.constant 0 : i32
      %scan3A_16 = arith.constant 64 : i32
      %scan3A_17 = arith.addi %scan3A_15, %scan3A_16 : i32
      %scan3A_18 = arith.constant 1 : i32
      scf.for %scan3A_25 = %scan3A_15 to %scan3A_17 step %scan3A_18  : i32 {
        %mul3A_26 = arith.constant 1 : i32
        %mul3A_27 = arith.muli %scan3A_25, %mul3A_26 : i32
        %add3A_28 = arith.constant 0 : i32
        %add3A_29 = arith.addi %add3A_28, %mul3A_27 : i32
        %dma_start3A = arith.constant 0 : i32
        %dma_start3A_30 = arith.constant 0 : i32
        %dma_start3A_31 = tpu.memref_slice %arg7[%add3A_29, %dma_start3A, %dma_start3A_30] : memref<64x39x16xf32, #tpu.memory_space<vmem>> -> memref<1x26x16xf32, #tpu.memory_space<vmem>>
        %dma_start3A_32 = tpu.memref_squeeze %dma_start3A_31 : memref<1x26x16xf32, #tpu.memory_space<vmem>> -> memref<26x16xf32, #tpu.memory_space<vmem>>
        %dma_start3A_33 = arith.constant 0 : i32
        %dma_start3A_34 = tpu.memref_slice %arg6[%add3A_29, %dma_start3A_33] : memref<64x26xi32, #tpu.memory_space<vmem>> -> memref<1x26xi32, #tpu.memory_space<vmem>>
        %dma_start3A_35 = tpu.memref_squeeze %dma_start3A_34 : memref<1x26xi32, #tpu.memory_space<vmem>> -> memref<26xi32, #tpu.memory_space<vmem>>
        %dma_start3A_36 = arith.constant 0 : i32
        %dma_start3A_37 = arith.constant 0 : i32
        %dma_start3A_38 = tpu.memref_slice %arg2[%dma_start3A_36, %dma_start3A_37] : memref<3200000x16xf32, #tpu.memory_space<hbm>> -> memref<3200000x16xf32, #tpu.memory_space<hbm>>
        tpu.enqueue_indirect_dma source(%dma_start3A_38 : memref<3200000x16xf32, #tpu.memory_space<hbm>>) target(%dma_start3A_32 : memref<26x16xf32, #tpu.memory_space<vmem>>) offsets(%dma_start3A_35 : memref<26xi32, #tpu.memory_space<vmem>>) semaphore(%arg8 : memref<!tpu.dma_semaphore, #tpu.memory_space<semaphore_mem>>)
      }
      %scan3A_19 = arith.constant 64 : i32
      %scan3A_20 = arith.constant 0 : i32
      %scan3A_21 = arith.constant 64 : i32
      %scan3A_22 = arith.addi %scan3A_20, %scan3A_21 : i32
      %scan3A_23 = arith.constant 1 : i32
      scf.for %scan3A_25 = %scan3A_20 to %scan3A_22 step %scan3A_23  : i32 {
        %mul3A_26 = arith.constant 1 : i32
        %mul3A_27 = arith.muli %scan3A_25, %mul3A_26 : i32
        %add3A_28 = arith.constant 0 : i32
        %add3A_29 = arith.addi %add3A_28, %mul3A_27 : i32
        %dma_wait3A = arith.constant 0 : i32
        %dma_wait3A_30 = arith.constant 0 : i32
        %dma_wait3A_31 = tpu.memref_slice %arg7[%add3A_29, %dma_wait3A, %dma_wait3A_30] : memref<64x39x16xf32, #tpu.memory_space<vmem>> -> memref<1x26x16xf32, #tpu.memory_space<vmem>>
        %dma_wait3A_32 = tpu.memref_squeeze %dma_wait3A_31 : memref<1x26x16xf32, #tpu.memory_space<vmem>> -> memref<26x16xf32, #tpu.memory_space<vmem>>
        %dma_wait3A_33 = arith.constant 0 : i32
        %dma_wait3A_34 = tpu.memref_slice %arg6[%add3A_29, %dma_wait3A_33] : memref<64x26xi32, #tpu.memory_space<vmem>> -> memref<1x26xi32, #tpu.memory_space<vmem>>
        %dma_wait3A_35 = tpu.memref_squeeze %dma_wait3A_34 : memref<1x26xi32, #tpu.memory_space<vmem>> -> memref<26xi32, #tpu.memory_space<vmem>>
        %dma_wait3A_36 = arith.constant 0 : i32
        %dma_wait3A_37 = arith.constant 0 : i32
        %dma_wait3A_38 = tpu.memref_slice %arg2[%dma_wait3A_36, %dma_wait3A_37] : memref<3200000x16xf32, #tpu.memory_space<hbm>> -> memref<3200000x16xf32, #tpu.memory_space<hbm>>
        tpu.wait_indirect_dma semaphore(%arg8 : memref<!tpu.dma_semaphore, #tpu.memory_space<semaphore_mem>>) src(%dma_wait3A_38 : memref<3200000x16xf32, #tpu.memory_space<hbm>>) dst(%dma_wait3A_32 : memref<26x16xf32, #tpu.memory_space<vmem>>)
      }
      %scan3A_24 = arith.constant 64 : i32
      "tpu.region"() ({
        %run_scoped3A = tpu.sem_alloc : memref<!tpu.dma_semaphore, #tpu.memory_space<semaphore_mem>>
        %dma_start3A = arith.constant 0 : i32
        %dma_start3A_25 = arith.constant 0 : i32
        %dma_start3A_26 = tpu.memref_slice %arg5[%add3A_14, %dma_start3A, %dma_start3A_25] : memref<16384x39x16xf32, #tpu.memory_space<hbm>> -> memref<64x39x16xf32, #tpu.memory_space<hbm>>
        %dma_start3A_27 = arith.constant 0 : i32
        %dma_start3A_28 = arith.constant 0 : i32
        %dma_start3A_29 = tpu.memref_slice %arg5[%add3A_14, %dma_start3A_27, %dma_start3A_28] : memref<16384x39x16xf32, #tpu.memory_space<hbm>> -> memref<64x39x16xf32, #tpu.memory_space<hbm>>
        tpu.enqueue_dma source(%arg7 : memref<64x39x16xf32, #tpu.memory_space<vmem>>) target(%dma_start3A_29 : memref<64x39x16xf32, #tpu.memory_space<hbm>>) target_semaphore(%run_scoped3A : memref<!tpu.dma_semaphore, #tpu.memory_space<semaphore_mem>>)
        %dma_wait3A = arith.constant 0 : i32
        %dma_wait3A_30 = arith.constant 0 : i32
        %dma_wait3A_31 = tpu.memref_slice %arg5[%add3A_14, %dma_wait3A, %dma_wait3A_30] : memref<16384x39x16xf32, #tpu.memory_space<hbm>> -> memref<64x39x16xf32, #tpu.memory_space<hbm>>
        %dma_wait3A_32 = arith.constant 0 : i32
        %dma_wait3A_33 = arith.constant 0 : i32
        %dma_wait3A_34 = tpu.memref_slice %arg5[%add3A_14, %dma_wait3A_32, %dma_wait3A_33] : memref<16384x39x16xf32, #tpu.memory_space<hbm>> -> memref<64x39x16xf32, #tpu.memory_space<hbm>>
        tpu.wait_dma2 semaphore(%run_scoped3A : memref<!tpu.dma_semaphore, #tpu.memory_space<semaphore_mem>>) src(%arg7 : memref<64x39x16xf32, #tpu.memory_space<vmem>>) dst(%dma_wait3A_34 : memref<64x39x16xf32, #tpu.memory_space<hbm>>)
        tpu.yield
      }) : () -> ()
    }
    %scan3A_6 = arith.constant 8 : i32
    return
  }
}

module attributes {stable_mosaic.version = 14 : i64} {
  func.func @_tc_prep_body(%arg0: memref<16384x39xf32, #tpu.memory_space<vmem>>, %arg1: memref<13x1xf32, #tpu.memory_space<vmem>>, %arg2: memref<13x16xf32, #tpu.memory_space<vmem>>, %arg3: memref<13x16xf32, #tpu.memory_space<vmem>>, %arg4: memref<16384x26xi32, #tpu.memory_space<vmem>>, %arg5: memref<64x13x16xf32, #tpu.memory_space<vmem>>) attributes {dimension_semantics = [], scalar_prefetch = 0 : i64, scratch_operands = 0 : i64, tpu.core_type = #tpu.core_type<tc>} {
    %get3A = arith.constant 0 : index
    %get3A_0 = arith.constant 0 : index
    %get3A_1 = vector.load %arg0[%get3A, %get3A_0] : memref<16384x39xf32, #tpu.memory_space<vmem>>, vector<16384x39xf32>
    %iota3A = tpu.iota {dimensions = array<i32: 1>} : vector<16384x26xi32>
    %slice3A = vector.extract_strided_slice %get3A_1 {offsets = [0, 0], sizes = [16384, 26], strides = [1, 1]} : vector<16384x39xf32> to vector<16384x26xf32>
    %convert_element_type3A = arith.fptosi %slice3A : vector<16384x26xf32> to vector<16384x26xi32>
    %mul3A = arith.constant 32 : i32
    %mul3A_2 = vector.broadcast %mul3A : i32 to vector<16384x26xi32>
    %mul3A_3 = arith.muli %convert_element_type3A, %mul3A_2 : vector<16384x26xi32>
    %add3A = arith.addi %mul3A_3, %iota3A : vector<16384x26xi32>
    %swap3A = arith.constant 0 : index
    %swap3A_4 = arith.constant 0 : index
    %swap3A_5 = vector.load %arg4[%swap3A, %swap3A_4] : memref<16384x26xi32, #tpu.memory_space<vmem>>, vector<16384x26xi32>
    tpu.vector_store %arg4[%swap3A, %swap3A_4], %add3A {strides = array<i32>} : memref<16384x26xi32, #tpu.memory_space<vmem>>, vector<16384x26xi32>,
    %get3A_6 = arith.constant 0 : index
    %get3A_7 = arith.constant 0 : index
    %get3A_8 = vector.load %arg1[%get3A_6, %get3A_7] : memref<13x1xf32, #tpu.memory_space<vmem>>, vector<13x1xf32>
    %get3A_9 = arith.constant 0 : index
    %get3A_10 = arith.constant 0 : index
    %get3A_11 = vector.load %arg2[%get3A_9, %get3A_10] : memref<13x16xf32, #tpu.memory_space<vmem>>, vector<13x16xf32>
    %mul3A_12 = vector.broadcast %get3A_8 : vector<13x1xf32> to vector<13x16xf32>
    %mul3A_13 = arith.mulf %mul3A_12, %get3A_11 : vector<13x16xf32>
    %get3A_14 = arith.constant 0 : index
    %get3A_15 = arith.constant 0 : index
    %get3A_16 = vector.load %arg3[%get3A_14, %get3A_15] : memref<13x16xf32, #tpu.memory_space<vmem>>, vector<13x16xf32>
    %add3A_17 = arith.addf %mul3A_13, %get3A_16 : vector<13x16xf32>
    %broadcast_in_dim3A = vector.shape_cast %add3A_17 : vector<13x16xf32> to vector<1x13x16xf32>
    %broadcast_in_dim3A_18 = vector.shape_cast %broadcast_in_dim3A : vector<1x13x16xf32> to vector<1x13x16xf32>
    %broadcast_in_dim3A_19 = vector.broadcast %broadcast_in_dim3A_18 : vector<1x13x16xf32> to vector<64x13x16xf32>
    %swap3A_20 = arith.constant 0 : index
    %swap3A_21 = arith.constant 0 : index
    %swap3A_22 = arith.constant 0 : index
    %swap3A_23 = vector.load %arg5[%swap3A_20, %swap3A_21, %swap3A_22] : memref<64x13x16xf32, #tpu.memory_space<vmem>>, vector<64x13x16xf32>
    tpu.vector_store %arg5[%swap3A_20, %swap3A_21, %swap3A_22], %broadcast_in_dim3A_19 {strides = array<i32>} : memref<64x13x16xf32, #tpu.memory_space<vmem>>, vector<64x13x16xf32>,
    return
  }
}

module attributes {stable_mosaic.version = 14 : i64} {
  func.func @_tc_transpose_body(%arg0: i32, %arg1: memref<416x2048xf32, #tpu.memory_space<vmem>>, %arg2: memref<8192x128xf32, #tpu.memory_space<vmem>>) attributes {dimension_semantics = [#tpu.dimension_semantics<arbitrary>], iteration_bounds = array<i64: 49>, scalar_prefetch = 0 : i64, scratch_operands = 0 : i64, tpu.core_type = #tpu.core_type<tc>, window_params = [{transform_indices = @transform_0, window_bounds = array<i64: 416, 2048>}, {transform_indices = @transform_1, window_bounds = array<i64: 8192, 128>}]} {
    %get3A = arith.constant 0 : index
    %get3A_0 = arith.constant 0 : index
    %get3A_1 = vector.load %arg1[%get3A, %get3A_0] : memref<416x2048xf32, #tpu.memory_space<vmem>>, vector<416x2048xf32>
    %transpose3A = tpu.transpose %get3A_1, [1, 0] : vector<416x2048xf32> -> vector<2048x416xf32>
    %broadcast_in_dim3A = arith.constant 0.000000e+00 : f32
    %broadcast_in_dim3A_2 = vector.broadcast %broadcast_in_dim3A : f32 to vector<2048x96xf32>
    %concatenate3A = tpu.concatenate %transpose3A, %broadcast_in_dim3A_2 in 1 : vector<2048x416xf32>, vector<2048x96xf32> -> vector<2048x512xf32>
    %reshape3A = vector.shape_cast %concatenate3A : vector<2048x512xf32> to vector<8192x128xf32>
    %swap3A = arith.constant 0 : index
    %swap3A_3 = arith.constant 0 : index
    %swap3A_4 = vector.load %arg2[%swap3A, %swap3A_3] : memref<8192x128xf32, #tpu.memory_space<vmem>>, vector<8192x128xf32>
    tpu.vector_store %arg2[%swap3A, %swap3A_3], %reshape3A {strides = array<i32>} : memref<8192x128xf32, #tpu.memory_space<vmem>>, vector<8192x128xf32>,
    return
  }
  func.func @transform_0(%arg0: i32) -> (i32, i32) {
    %c0_i32 = arith.constant 0 : i32
    %c0_i32_0 = arith.constant 0 : i32
    return %c0_i32, %arg0 : i32, i32
  }
  func.func @transform_1(%arg0: i32) -> (i32, i32) {
    %c0_i32 = arith.constant 0 : i32
    %c0_i32_0 = arith.constant 0 : i32
    return %arg0, %c0_i32 : i32, i32
  }
}

</mosaic_0001>

<sc_bundles>
// kernel: kernel.5.cloned.1.call-start
scs
__scs_entry_jumppad:
0x0: {  	(pc) =	sbr.rel $0x88, $3  }
0x1: {  	(tag) =	ssettag $0x0;
	lr =	simm.s32 $0x1  }
0x2: {  	[smem:$0x3F9C] =	sst lr;
	_ =	strace $0xD0000000  }
0x3: {  	_ = 	snop  }
0x4: {  	_ = 	snop  }
0x5: {  	_ = 	snop  }
0x6: {  	_ = 	snop  }
0x7: {  	_ = 	snop  }
__scs_overlays_trampoline_lowered:
0x8: {  	[smem:$0x3FAB] =	sst s0  }
0x9: {  	[smem:$0x3FAC] =	sst s1  }
0xa: {  	[smem:$0x3FAD] =	sst s2  }
0xb: {  	[smem:$0x3FAE] =	sst s3  }
0xc: {  	[smem:$0x3FAF] =	sst s4  }
0xd: {  	[smem:$0x3FB0] =	sst s5  }
0xe: {  	[smem:$0x3FB1] =	sst s6  }
0xf: {  	[smem:$0x3FB2] =	sst s7  }
0x10: {  	[smem:$0x3FB3] =	sst s8  }
0x11: {  	[smem:$0x3FB4] =	sst s9;
	s0 =	simm.s32 @!p0 $0x0  }
0x12: {  	s1 =	sld [smem:$0x3F9A];
	s0 =	simm.s32 @p0 $0x1  }
0x13: {  	[smem:$0x3FB5] =	sst s0;
	s0 =	simm.s32 @!p1 $0x0  }
0x14: {  	s2 =	sld [smem:$0x3F99];
	s0 =	simm.s32 @p1 $0x1  }
0x15: {  	[smem:$0x3FB6] =	sst s0;
	s0 =	simm.s32 @!p2 $0x0  }
0x16: {  	s3 =	sld [smem:$0x3FDB];
	s0 =	simm.s32 @p2 $0x1  }
0x17: {  	s4 =	simm.s32 $0x1BF5;
	[smem:$0x3FB8] =	sst s0  }
0x18: {  	s0 =	sld [smem:$0x3F9B];
	_ =	swait.ge [sflag:s4], $0x0  }
0x19: {  	s7 =	sld [smem:$0x3F9C]  }
0x1a: {  	s8 =	sadd.s32 $0xFFFFE003, lr  }
0x1b: {  	s9 =	sadd.s32 $0xFFFFFEF7, lr;
	s5 =	simm.s32 $0xFFFFFFFF;
	p2 =	slt.u32 s8, $0xFFFFF086  }
0x1c: {  	p1 =	slt.u32 s9, $0xF7A;
	s5 =	simm.s32 @!p2 $0x0  }
0x1d: {  	s5 =	simm.s32 @p1 $0x1;
	p0 =	seq.s32 s7, s2  }
0x1e: {  	s7 =	smul.u32 @!p0 $0xF7A, s2;
	p2 =	seq.s32 @!p0 s5, $0x0  }
0x1f: {  	s9 =	smul.u32 $0xF7A, s1;
	s8 =	simm.s32 @!p0 $0x1BF5;
	p2 =	por !p2, p0  }
0x20: {  	[sflag:s8] =	ssyncset.s32 @!p0 $0xFFFFF086;
	s6 =	sadd.s32 @!p0 s3, s7;
	s7 =	simm.s32 @!p0 $0x108  }
0x21: {  	s3 =	sadd.s32 s3, s9;
	s6 =	sadd.s32 @!p0 $0x88, s6;
	s7 =	simm.s32 @p2 $0x1082  }
0x22: {  	[simem:s7], [sflag:s8] =	dma.local @!p0 [hbm:s6], $0xF7A  }
0x23: {  	s9 =	sor.u32 $0xD0000000, s2;
	s6 =	simm.s32 $0x108;
	_ =	swait.ge @!p0 [sflag:s8], $0x0  }
0x24: {  	s3 =	sadd.s32 $0x88, s3;
	s6 =	simm.s32 @!p1 $0x1082;
	[sflag:s4] =	ssyncset.s32 $0xFFFFF086  }
0x25: {  	[simem:s6], [sflag:s4] =	dma.local [hbm:s3], $0xF7A  }
0x26: {  	[smem:$0x3F9C] =	sst s1;
	(tag) =	ssettag s2;
	_ =	strace s9  }
0x27: {  	s1 =	sld [smem:$0x3FAC]  }
0x28: {  	s2 =	sld [smem:$0x3FAD]  }
0x29: {  	s4 =	sld [smem:$0x3FAF]  }
0x2a: {  	p0 =	seq.s32 s5, $0x0;
	s5 =	sld [smem:$0x3FB0]  }
0x2b: {  	s6 =	sld [smem:$0x3FB1]  }
0x2c: {  	s7 =	sld [smem:$0x3FB2]  }
0x2d: {  	s3 =	simm.s32 $0x108;
	s8 =	sld [smem:$0x3FB3]  }
0x2e: {  	s3 =	simm.s32 @!p0 $0x1082;
	s9 =	sld [smem:$0x3FB4]  }
0x2f: {  	lr =	sadd.s32 s0, s3;
	s0 =	sld [smem:$0x3FAB]  }
0x30: {  	s3 =	sld [smem:$0x3FAE]  }
0x31: {  	[smem:$0x3FB7] =	sst s10  }
0x32: {  	s10 =	sld [smem:$0x3FB5];
	_ =	sdelay $0x3  }
0x33: {  	p0 =	seq.s32 s10, $0x1;
	s10 =	sld [smem:$0x3FB7];
	_ =	sdelay $0x3  }
0x34: {  	[smem:$0x3FB7] =	sst s10  }
0x35: {  	s10 =	sld [smem:$0x3FB6];
	_ =	sdelay $0x3  }
0x36: {  	p1 =	seq.s32 s10, $0x1;
	s10 =	sld [smem:$0x3FB7];
	_ =	sdelay $0x3  }
0x37: {  	[smem:$0x3FB7] =	sst s10  }
0x38: {  	s10 =	sld [smem:$0x3FB8]  }
0x39: {  	_ = 	snop;
	(pc) =	sbr.ind lr, $3  }
0x3a: {  	_ = 	snop  }
0x3b: {  	_ = 	snop  }
0x3c: {  	p2 =	seq.s32 s10, $0x1;
	s10 =	sld [smem:$0x3FB7]  }
0x3d: {  	_ =	shalt  }
0x3e: {  	_ =	shalt  }
0x3f: {  	_ =	shalt  }
0x40: {  	_ =	shalt  }
0x41: {  	_ =	shalt  }
0x42: {  	_ =	shalt  }
0x43: {  	_ =	shalt  }
0x44: {  	_ =	shalt  }
0x45: {  	_ =	shalt  }
0x46: {  	_ =	shalt  }
0x47: {  	_ =	shalt  }
0x48: {  	_ =	shalt  }
0x49: {  	_ =	shalt  }
0x4a: {  	_ =	shalt  }
0x4b: {  	_ =	shalt  }
0x4c: {  	_ =	shalt  }
0x4d: {  	_ =	shalt  }
0x4e: {  	_ =	shalt  }
0x4f: {  	_ =	shalt  }
0x50: {  	_ =	shalt  }
0x51: {  	_ =	shalt  }
0x52: {  	_ =	shalt  }
0x53: {  	_ =	shalt  }
0x54: {  	_ =	shalt  }
0x55: {  	_ =	shalt  }
0x56: {  	_ =	shalt  }
0x57: {  	_ =	shalt  }
0x58: {  	_ =	shalt  }
0x59: {  	_ =	shalt  }
0x5a: {  	_ =	shalt  }
0x5b: {  	_ =	shalt  }
0x5c: {  	_ =	shalt  }
0x5d: {  	_ =	shalt  }
0x5e: {  	_ =	shalt  }
0x5f: {  	_ =	shalt  }
0x60: {  	_ =	shalt  }
0x61: {  	_ =	shalt  }
0x62: {  	_ =	shalt  }
0x63: {  	_ =	shalt  }
0x64: {  	_ =	shalt  }
0x65: {  	_ =	shalt  }
0x66: {  	_ =	shalt  }
0x67: {  	_ =	shalt  }
0x68: {  	_ =	shalt  }
0x69: {  	_ =	shalt  }
0x6a: {  	_ =	shalt  }
0x6b: {  	_ =	shalt  }
0x6c: {  	_ =	shalt  }
0x6d: {  	_ =	shalt  }
0x6e: {  	_ =	shalt  }
0x6f: {  	_ =	shalt  }
0x70: {  	_ =	shalt  }
0x71: {  	_ =	shalt  }
0x72: {  	_ =	shalt  }
0x73: {  	_ =	shalt  }
0x74: {  	_ =	shalt  }
0x75: {  	_ =	shalt  }
0x76: {  	_ =	shalt  }
0x77: {  	_ =	shalt  }
0x78: {  	_ =	shalt  }
0x79: {  	_ =	shalt  }
0x7a: {  	_ =	shalt  }
0x7b: {  	_ =	shalt  }
0x7c: {  	_ =	shalt  }
0x7d: {  	_ =	shalt  }
0x7e: {  	_ =	shalt  }
0x7f: {  	_ =	shalt  }
0x80: {  	_ =	shalt  }
0x81: {  	_ =	shalt  }
0x82: {  	_ =	shalt  }
0x83: {  	_ =	shalt  }
0x84: {  	_ =	shalt  }
0x85: {  	_ =	shalt  }
0x86: {  	_ =	shalt  }
0x87: {  	_ =	shalt  }
.Lfunc_end0:
.L_simem_size_0:
called_computation.1_lowered:
.L_overlay_start_0:
0x88: {  	s2 =	sld [smem:$0x3FD9]  }
0x89: {  	s3 =	sld [smem:$0x3FFE];
	_ =	sdelay $0x1  }
0x8a: {  	s1 =	srdreg.scid  }
0x8b: {  	s0 =	sand.u32 $0x1, s1  }
0x8c: {  	s17 =	sshll.u32 s0, $0xA;
	s2 =	sadd.s32 s3, s2  }
0x8d: {  	s2 =	sadd.s32 s2, s17  }
0x8e: {  	[smem:$0x3FC3] =	sst s2  }
0x8f: {  	_ = 	snop  }
0x90: {  	s2 =	sld [smem:$0x3FD0];
	(tm) =	ssettm $0x1  }
0x91: {  	s18 =	sld [smem:$0x3FFB];
	_ =	sdelay $0x3  }
0x92: {  	_ =	strace s18  }
0x93: {  	s3 =	sld [smem:$0x3FFC];
	_ =	sdelay $0x3  }
0x94: {  	_ =	strace s3  }
0x95: {  	s3 =	sld [smem:$0x3FFD];
	_ =	sdelay $0x3  }
0x96: {  	_ =	strace s3  }
0x97: {  	_ =	strace $0x8FFFFFFF  }
0x98: {  	s19 =	sld [smem:$0x3FDB];
	_ =	sdelay $0x1  }
0x99: {  	s4 =	simm.s32 $_scs_section_size  }
0x9a: {  	s5 =	simm.s32 $_size__tile_overlayer_lowered;
	s6 =	simm.s32 $_tile_overlayer_lowered  }
0x9b: {  	s22 =	simm.s32 $0x1BFF;
	s21 =	sshll.u32 s6, $0x1;
	s3 =	sadd.s32 s4, s19  }
0x9c: {  	s7 =	simm.s32 $0x0;
	s20 =	sshll.u32 s5, $0x1;
	s5 =	sadd.s32 s21, s3  }
0x9d: {  	[timem:s7], [sflag:s22] =	dma.local [hbm:s5], s20  }
0x9e: {  	_ =	swait.ge [sflag:s22], s20  }
0x9f: {  	s4 =	ssub.s32 $0x0, s20;
	[sflag:s22] =	ssyncset.done $0x0  }
0xa0: {  	[sflag:s22] =	ssyncadd.s32 s4;
	_ =	sdelay $0x1  }
0xa1: {  	s23 =	simm.s32 $0x1B8B  }
0xa2: {  	_ =	swait.ge [sflag:s23], $0x1  }
0xa3: {  	[sflag:s23] =	ssyncset.done $0x0  }
0xa4: {  	s25 =	simm.s32 $0x1B8E;
	s24 =	sld [smem:$0x3FFE];
	[sflag:s23] =	ssyncadd.s32 $0xFFFFFFFF  }
0xa5: {  	s26 =	simm.s32 $execute0_lowered;
	[smem:$0x3FD2] =	sst s25  }
0xa6: {  	s5 =	sshll.u32 s26, $0x1;
	_ =	strace $0x80000046;
	[dreg:$0x1] =	wrdreg $0xFFFFFFFF  }
0xa7: {  	s28 =	simm.s32 $_size_execute0_lowered;
	s3 =	sadd.s32 s3, s5;
	[dreg:$0x0] =	wrdreg $0x0  }
0xa8: {  	s5 =	sshll.u32 s28, $0x1;
	[dreg:$0x2] =	wrdreg s3  }
0xa9: {  	[dreg:$0x3] =	wrdreg s5  }
0xaa: {  	[dreg:$0x4] =	wrdreg $0xC0  }
0xab: {  	_ =	task [dreg:s7], $0x5FFFF  }
0xac: {  	[dreg:$0x1] =	wrdreg $0xFFFFFFFF  }
0xad: {  	[dreg:$0x0] =	wrdreg $0x60  }
0xae: {  	[dreg:$0x2] =	wrdreg s24  }
0xaf: {  	[dreg:$0x3] =	wrdreg s2  }
0xb0: {  	[dreg:$0x4] =	wrdreg $0x9  }
0xb1: {  	_ =	task.clear_ibuf [dreg:s7], $0x5FFFF;
	_ =	strace $0x90000046  }
0xb2: {  	s29 =	simm.s32 $0x9;
	_ =	strace $0x80000048  }
0xb3: {  	_ =	swait.ge [sflag:s29], $0x1  }
0xb4: {  	[sflag:s29] =	ssyncadd.s32 $0xFFFFFFFF  }
0xb5: {  	_ =	strace $0x90000048  }
0xb6: {  	_ =	sfence  }
0xb7: {  	s30 =	sld [smem:$0x0];
	_ =	sdelay $0x2  }
0xb8: {  	s31 =	sshll.u32 s1, $0xD;
	s1 =	sshrl.u32 s1, $0x2  }
0xb9: {  	s3 =	sand.u32 $0x4000, s31;
	s1 =	sadd.s32 s1, s30  }
0xba: {  	s0 =	sor.u32 s3, s0;
	s1 =	sshll.u32 s1, $0x11  }
0xbb: {  	s0 =	sor.u32 s1, s0  }
0xbc: {  	s0 =	sadd.s32 $0x8F2B, s0  }
0xbd: {  	[sflag:s0] =	ssyncadd.remote.s32 $0x1  }
0xbe: {  	_ =	sfence.sel $0xFFFF  }
0xbf: {  	[dreg:$0x0] =	wrdreg $0xFFFFFFFF;
	(pc) =	sbr.abs _section_cstart, $3  }
0xc0: {  	[dreg:$0x1] =	wrdreg $0xFFFFFFFF  }
0xc1: {  	_ =	task.clear_ibuf [dreg:s7], $0x2FFFF;
	_ =	strace $0x9FFFFFFF  }
0xc2: {  	(tm) =	ssettm $0x7FFFFFFF  }
0xc3: {  	_ =	shalt  }
tec
execute0_lowered:
.L_overlay_start_1:
0x0: {  	(tag) =	ssettag $0x1  }
0x1: {  	s6 =	rddreg [dreg:$0x0]  }
0x2: {  	s1 =	rddreg [dreg:$0x1]  }
0x3: {  	s0 =	rddreg [dreg:$0x2]  }
0x4: {  	s2 =	simm.s32 $0x0;
	s3 =	srdreg.scid;
	s11 =	simm.s32 $0x1  }
0x5: {  	s12 =	simm.s32 $0x800;
	s13 =	simm.s32 $0x0;
	[smem:$0x7FF] =	sst s2  }
0x6: {  	s4 =	sadd.s32 $0x11600, s6;
	s7 =	sand.u32 $0x1, s3;
	s5 =	sadd.s32 $0xE00, s6  }
0x7: {  	s3 =	stileid.u32;
	s6 =	sadd.s32 $0x10E00, s6;
	s8 =	ssub.s32 $0x2, s7  }
0x8: {  	s10 =	sshll.u32 s3, $0xA;
	s7 =	sshll.u32 s7, $0x9;
	s9 =	sshrl.u32 s8, $0x1  }
0x9: {  	_ =	strace $0x80000047;
	s7 =	sor.u32 s7, s10;
	s8 =	ssub.s32 s8, s9  }
0xa: {  	s10 =	simm.s32 $0x1A;
	s9 =	simm.s32 $0x2;
	s8 =	smax.u32 s8, $0x1  }
.LBB2_1:
0xb: {  	s14 =	simm.s32 $0x9A0  }
0xc: {  	s15 =	simm.s32 $0x1A;
	s17 =	sadd.s32 $0x0, s6;
	s16 =	simm.s32 $0xC10  }
.LBB2_2:
0xd: {  	[tilespmem:s14], [sflag:$0x2] =	stream.linear.gather [hbm4b:s17+s2], $0xD0, $0x38;
	[tilespmem:$0xA400] =	vst v63  }
0xe: {  	s17 =	smov.u32 s15;
	s14 =	smov.u32 s16;
	p0 =	sne.s32 s15, $0x666  }
.Ltmp0:
0xf: {  	s15 =	sadd.s32 $0x1A, s15;
	(pc) =	sbr.rel @p0 .LBB2_2-.Ltmp0, $2  }
0x10: {  	_ =	sdelay $0x2  }
0x11: {  	s16 =	sadd.s32 $0x270, s16;
	s17 =	sadd.s32 s17, s6  }
0x12: {  	[tilespmem:s14], [sflag:$0x2] =	stream.linear.gather [hbm4b:s17+s2], $0xD0, $0x38;
	[tilespmem:$0xA400] =	vst v63  }
0x13: {  	_ =	swait.ge [sflag:s9], $0x3400  }
0x14: {  	[sflag:s9] =	ssyncset.done $0x0  }
0x15: {  	s14 =	simm.s32 $0x0;
	s15 =	simm.s32 $0x0;
	[sflag:s9] =	ssyncadd.s32 $0xFFFFCC00  }
.LBB2_4:
0x16: {  	s16 =	sshll.u32 s15, $0x6  }
0x17: {  	s16 =	sadd.s32 s7, s16  }
0x18: {  	s17 =	sshll.u32 s16, $0x2  }
0x19: {  	s17 =	sadd.s32 s5, s17  }
0x1a: {  	[tilespmem:s14], [sflag:$0x2] =	stream.linear.gather [hbm4b:s17+s14], $0x800, $0x38;
	[tilespmem:$0xA400] =	vst v63  }
0x1b: {  	_ =	swait.ge [sflag:s9], $0x800  }
0x1c: {  	[sflag:s9] =	ssyncset.done $0x0  }
0x1d: {  	s18 =	simm.s32 $0x0;
	s17 =	simm.s32 $0x800;
	[sflag:s9] =	ssyncadd.s32 $0xFFFFF800  }
.LBB2_5:
0x1e: {  	p0 =	sne.s32 s18, $0x1F80  }
.Ltmp1:
0x1f: {  	_ = 	snop;
	(pc) =	sbr.rel @p0 .LBB2_5-.Ltmp1, $4  }
0x20: {  	_ = 	snop  }
0x21: {  	s19 =	sshra.s32 s18, $0x2  }
0x22: {  	[tilespmem:s17], [sflag:$0x1] =	stream.indirect.gather [hbm4b:s4+s10], $0x10, s19, s10, $0xb8;
	[tilespmem:$0xA400] =	vst v63  }
0x23: {  	s18 =	sadd.s32 $0x80, s18;
	s17 =	sadd.s32 $0x270, s17  }
0x24: {  	_ =	swait.ge [sflag:s11], $0x1A0  }
0x25: {  	s17 =	simm.s32 $0x3F;
	[sflag:s11] =	ssyncset.done $0x0  }
.LBB2_7:
0x26: {  	p0 =	sne.s32 s17, $0x1;
	s17 =	sadd.s32 $0xFFFFFFFF, s17;
	[sflag:s11] =	ssyncadd.s32 $0xFFFFFE60  }
.Ltmp2:
0x27: {  	(pc) =	sbr.rel @p0 .LBB2_7-.Ltmp2, $3  }
0x28: {  	_ =	sdelay $0x1  }
0x29: {  	_ =	swait.ge [sflag:s11], $0x1A0  }
0x2a: {  	[sflag:s11] =	ssyncset.done $0x0  }
0x2b: {  	s16 =	smul.u32 $0x4E, s16;
	s15 =	sadd.s32 $0x1, s15  }
0x2c: {  	p0 =	sne.s32 s15, $0x8  }
.Ltmp3:
0x2d: {  	[sflag:s11] =	ssyncadd.s32 $0xFFFFFE60;
	s16 =	sadd.s32 s1, s16;
	(pc) =	sbr.rel @p0 .LBB2_4-.Ltmp3, $4  }
0x2e: {  	[hbm4b:s16+s2] =	stream.linear.scatter [tilespmem:s12], [sflag:$0x2], $0x9C00, $0x38;
	[tilespmem:$0xA400] =	vst v63  }
0x2f: {  	_ =	swait.ge [sflag:s9], $0x9C00  }
0x30: {  	[sflag:s9] =	ssyncset.done $0x0  }
0x31: {  	[sflag:s9] =	ssyncadd.s32 $0xFFFF6400  }
0x32: {  	s13 =	sadd.s32 $0x1, s13  }
0x33: {  	p0 =	sne.s32 s13, s8  }
.Ltmp4:
0x34: {  	_ = 	snop;
	(pc) =	sbr.rel @p0 .LBB2_1-.Ltmp4, $1  }
0x35: {  	_ =	sdelay $0x3  }
0x36: {  	_ =	sfence.sel $0x180000  }
0x37: {  	[bflag:$0x0] =	sbarrier.arrive $0xFFFF  }
0x38: {  	p0 =	sne.s32 s3, $0x0;
	_ =	strace $0x90000047  }
0x39: {  	s0 =	sadd.s32 @!p0 $0x100000, s0;
	[bflag:$0x2] =	sbarrier.arrive $0xFFFF  }
0x3a: {  	[sflag:s0] =	ssyncadd.tile.s32 @!p0 $0x1;
	_ =	shalt  }
.Lfunc_end2:
_tile_overlayer_lowered:
.L_overlay_start_2:
0x3b: {  	(tag) =	ssettag $0x2  }
0x3c: {  	s0 =	rddreg [dreg:$0x0];
	s2 =	stileid.u32  }
0x3d: {  	s1 =	rddreg [dreg:$0x1];
	p0 =	sne.s32 s2, $0x0  }
0x3e: {  	s3 =	rddreg [dreg:$0x2];
	[bflag:$0x3] =	sbarrier.arrive $0xFFFF;
	s2 =	simm.s32 @!p0 $0x1C02  }
0x3f: {  	[timem:s3], [sflag:s2] =	dma.local @!p0 [hbm:s0], s1  }
0x40: {  	s0 =	simm.s32 @!p0 $0x2  }
0x41: {  	_ =	swait.ge @!p0 [sflag:s0], s1  }
0x42: {  	s1 =	ssub.s32 @!p0 $0x0, s1;
	[sflag:s0] =	ssyncset.done @!p0 $0x0  }
0x43: {  	[sflag:s0] =	ssyncadd.s32 @!p0 s1  }
0x44: {  	[bflag:$0x3] =	sbarrier.arrive $0xFFFF  }
0x45: {  	_ =	shalt  }

// kernel: sparse-core-data-format-call.cloned.1.call-start
scs
called_computation_lowered:
.L_overlay_start_0:
0x0: {  	s2 =	sld [smem:$0x3FD9]  }
0x1: {  	s3 =	sld [smem:$0x3FFE];
	_ =	sdelay $0x1  }
0x2: {  	s1 =	srdreg.scid  }
0x3: {  	s0 =	sand.u32 $0x1, s1  }
0x4: {  	s18 =	sshll.u32 s0, $0xA;
	s2 =	sadd.s32 s3, s2  }
0x5: {  	s2 =	sadd.s32 s2, s18  }
0x6: {  	[smem:$0x3FC3] =	sst s2  }
0x7: {  	_ = 	snop  }
0x8: {  	s2 =	sld [smem:$0x3FD0];
	(tm) =	ssettm $0x1  }
0x9: {  	s19 =	sld [smem:$0x3FFB];
	_ =	sdelay $0x3  }
0xa: {  	_ =	strace s19  }
0xb: {  	s3 =	sld [smem:$0x3FFC];
	_ =	sdelay $0x3  }
0xc: {  	_ =	strace s3  }
0xd: {  	s3 =	sld [smem:$0x3FFD];
	_ =	sdelay $0x3  }
0xe: {  	_ =	strace s3  }
0xf: {  	_ =	strace $0x8FFFFFFF  }
0x10: {  	s20 =	sld [smem:$0x3FDB];
	_ =	sdelay $0x1  }
0x11: {  	s4 =	simm.s32 $_scs_section_size  }
0x12: {  	s5 =	simm.s32 $_size__tile_overlayer_lowered;
	s6 =	simm.s32 $_tile_overlayer_lowered  }
0x13: {  	s23 =	simm.s32 $0x1BFF;
	s22 =	sshll.u32 s6, $0x1;
	s3 =	sadd.s32 s4, s20  }
0x14: {  	s7 =	simm.s32 $0x0;
	s21 =	sshll.u32 s5, $0x1;
	s5 =	sadd.s32 s22, s3  }
0x15: {  	[timem:s7], [sflag:s23] =	dma.local [hbm:s5], s21  }
0x16: {  	_ =	swait.ge [sflag:s23], s21  }
0x17: {  	s4 =	ssub.s32 $0x0, s21;
	[sflag:s23] =	ssyncset.done $0x0  }
0x18: {  	[sflag:s23] =	ssyncadd.s32 s4;
	_ =	sdelay $0x1  }
0x19: {  	s24 =	simm.s32 $0x1B8B  }
0x1a: {  	_ =	swait.ge [sflag:s24], $0x1  }
0x1b: {  	[sflag:s24] =	ssyncset.done $0x0  }
0x1c: {  	s26 =	simm.s32 $0x1B8E;
	s25 =	sld [smem:$0x3FFE];
	[sflag:s24] =	ssyncadd.s32 $0xFFFFFFFF  }
0x1d: {  	s27 =	simm.s32 $execute0_lowered;
	[smem:$0x3FD2] =	sst s26  }
0x1e: {  	s5 =	sshll.u32 s27, $0x1;
	_ =	strace $0x80000049;
	[dreg:$0x1] =	wrdreg $0xFFFFFFFF  }
0x1f: {  	s28 =	simm.s32 $_size_execute0_lowered;
	s3 =	sadd.s32 s3, s5;
	[dreg:$0x0] =	wrdreg $0x0  }
0x20: {  	s5 =	sshll.u32 s28, $0x1;
	[dreg:$0x2] =	wrdreg s3  }
0x21: {  	[dreg:$0x3] =	wrdreg s5  }
0x22: {  	[dreg:$0x4] =	wrdreg $0xC0  }
0x23: {  	_ =	task [dreg:s7], $0x5FFFF  }
0x24: {  	[dreg:$0x1] =	wrdreg $0xFFFFFFFF  }
0x25: {  	[dreg:$0x0] =	wrdreg $0x60  }
0x26: {  	[dreg:$0x2] =	wrdreg s25  }
0x27: {  	[dreg:$0x3] =	wrdreg s2  }
0x28: {  	[dreg:$0x4] =	wrdreg $0x9  }
0x29: {  	_ =	task.clear_ibuf [dreg:s7], $0x5FFFF;
	_ =	strace $0x90000049  }
0x2a: {  	s29 =	simm.s32 $0x9;
	_ =	strace $0x8000004B  }
0x2b: {  	_ =	swait.ge [sflag:s29], $0x1  }
0x2c: {  	[sflag:s29] =	ssyncadd.s32 $0xFFFFFFFF  }
0x2d: {  	_ =	strace $0x9000004B  }
0x2e: {  	_ =	sfence  }
0x2f: {  	s30 =	sld [smem:$0x0];
	_ =	sdelay $0x2  }
0x30: {  	s31 =	sshll.u32 s1, $0xD;
	s1 =	sshrl.u32 s1, $0x2  }
0x31: {  	s3 =	sand.u32 $0x4000, s31;
	s1 =	sadd.s32 s1, s30  }
0x32: {  	s0 =	sor.u32 s3, s0;
	s1 =	sshll.u32 s1, $0x11  }
0x33: {  	s0 =	sor.u32 s1, s0  }
0x34: {  	s0 =	sadd.s32 $0x8F2B, s0  }
0x35: {  	[sflag:s0] =	ssyncadd.remote.s32 $0x1  }
0x36: {  	_ =	sfence.sel $0xFFFF  }
0x37: {  	[dreg:$0x0] =	wrdreg $0xFFFFFFFF;
	(pc) =	sbr.abs _section_cstart, $3  }
0x38: {  	[dreg:$0x1] =	wrdreg $0xFFFFFFFF  }
0x39: {  	_ =	task.clear_ibuf [dreg:s7], $0x2FFFF;
	_ =	strace $0x9FFFFFFF  }
0x3a: {  	(tm) =	ssettm $0x7FFFFFFF  }
0x3b: {  	_ =	shalt  }
tec
execute0_lowered:
.L_overlay_start_1:
0x0: {  	(tag) =	ssettag $0x1  }
0x1: {  	s0 =	srdreg.scid  }
0x2: {  	s1 =	sshll.u32 s0, $0x4  }
0x3: {  	s0 =	stileid.u32;
	s1 =	sand.u32 $0x10, s1  }
0x4: {  	s1 =	sor.u32 s0, s1  }
0x5: {  	s6 =	rddreg [dreg:$0x0];
	s4 =	simm.s32 $0x1;
	s2 =	sshll.u32 s1, $0x7  }
0x6: {  	s7 =	simm.s32 $0x2;
	s12 =	simm.s32 $0x0;
	s1 =	ssub.s32 $0x4000, s2  }
0x7: {  	s8 =	simm.s32 $0x20000;
	s13 =	simm.s32 $0x0;
	s3 =	sand.u32 $0xF80, s1  }
0x8: {  	s9 =	simm.s32 $0x0;
	s5 =	sshrl.u32 s1, $0xC;
	p0 =	sne.s32 s3, $0x0  }
.Ltmp0:
0x9: {  	s1 =	rddreg [dreg:$0x2];
	s4 =	simm.s32 @!p0 $0x0;
	(pc) =	sbr.rel .LBB1_1-.Ltmp0, $4  }
0xa: {  	s11 =	simm.s32 $0x0;
	s3 =	rddreg [dreg:$0x1];
	s5 =	sadd.s32 s4, s5  }
0xb: {  	_ =	strace $0x8000004A;
	s4 =	simm.s32 $0x1;
	s5 =	smul.u32 $0x27, s5  }
0xc: {  	s6 =	sadd.s32 $0xE00, s6;
	s10 =	smov.u32 s2;
	[sflag:s4] =	ssyncpa.u1 $0x0  }
0xd: {  	p0 =	por $0x0, $0x0;
	[sflag:s7] =	ssyncpa.u1 $0x0;
	s7 =	sadd.s32 $0x1, s5  }
.LBB1_4:
0xe: {  	s16 =	sshll.u32 s13, $0x3;
	s17 =	sand.u32 $0x78, s13  }
0xf: {  	s30 =	sand.u32 $0x7800, s13;
	s12 =	sshll.u32 s12, $0xF;
	s16 =	sand.u32 $0x3C00, s16  }
0x10: {  	s31 =	sand.u32 $0x7, s13;
	s16 =	sor.u32 s17, s16;
	s17 =	sadd.s32 s3, s30  }
0x11: {  	s13 =	sshll.u32 s31, $0x12;
	s16 =	sshrl.u32 s16, $0x3;
	s12 =	sadd.s32 s12, s17  }
0x12: {  	[tilespmem:s15+$0x0 ss:$0x81] =	vst.msk $0xffff, v1;
	s13 =	sor.u32 $0x400, s13;
	s12 =	sadd.s32 s16, s12  }
0x13: {  	[hbm4b:s12+s13] =	stream.strided.scatter [tilespmem:s14], [sflag:$0x2], $0x800, s8, s13, $0x20;
	[tilespmem:$0x2020] =	vst v63  }
.LBB1_5:
0x14: {  	s14 =	sadd.s32 $0x1, s9  }
0x15: {  	s12 =	sadd.s32 $0x1000, s10;
	s16 =	smov.u32 s10;
	p2 =	sgt.s32 s14, $0x26  }
0x16: {  	s16 =	smov.u32 @p2 s12  }
0x17: {  	s14 =	simm.s32 @p2 $0x0;
	p2 =	sgt.s32 s16, $0x3FFF  }
0x18: {  	s16 =	smov.u32 @p2 s2;
	p2 =	sne.s32 s11, s7  }
.Ltmp1:
0x19: {  	p1 =	slt.u32 s11, $0x2;
	(pc) =	sbr.rel @!p2 .LBB1_6-.Ltmp1, $4  }
0x1a: {  	s15 =	simm.s32 @!p1 $0x2  }
0x1b: {  	s13 =	smov.u32 s10;
	p0 =	por !p0, !p0;
	_ =	swait.ge @!p1 [sflag:s15], $0x800  }
0x1c: {  	s12 =	smov.u32 s9;
	[sflag:s15] =	ssyncset.done @!p1 $0x0;
	s9 =	smov.u32 s14  }
0x1d: {  	s11 =	sadd.s32 $0x1, s11;
	[sflag:s15] =	ssyncadd.s32 @!p1 $0xFFFFF800;
	s10 =	smov.u32 s16  }
.LBB1_1:
0x1e: {  	p1 =	sge.u32 s11, s5  }
0x1f: {  	s14 =	sand.u32 @!p1 $0x1FFFFFF, s9  }
0x20: {  	s15 =	smulhi.u32 @!p1 $0x6666667, s14;
	_ =	sdelay $0x1  }
0x21: {  	s15 =	smul.u32 @!p1 $0x28, s15  }
0x22: {  	s16 =	sxor.u32 @!p1 $0xFFFFFFFF, s11;
	s17 =	smul.u32 @!p1 $0x280, s10  }
0x23: {  	s31 =	sadd.s32 $0xFFFFFFFF, s11;
	s16 =	sshll.u32 @!p1 s16, $0xB;
	s14 =	ssub.s32 @!p1 s14, s15  }
0x24: {  	s15 =	sand.u32 @!p1 $0x800, s16;
	s16 =	sadd.s32 @!p1 s6, s17;
	s14 =	sshll.u32 @!p1 s14, $0x4  }
0x25: {  	s17 =	simm.s32 @!p1 $0x1400;
	s14 =	sadd.s32 @!p1 s14, s16;
	s16 =	simm.s32 @!p1 $0x10  }
0x26: {  	[tilespmem:s15], [sflag:$0x1] =	stream.strided.gather @!p1 [hbm4b:s14+s16], $0x800, s17, s16, $0x38;
	[tilespmem:$0x2020] =	vst v63  }
0x27: {  	p1 =	sge.u32 s31, s5  }
.Ltmp2:
0x28: {  	_ = 	snop;
	(pc) =	sbr.rel @p1 .LBB1_5-.Ltmp2, $1  }
0x29: {  	_ =	sdelay $0x3  }
0x2a: {  	s14 =	simm.s32 $0x1  }
0x2b: {  	s14 =	simm.s32 @!p0 $0x0  }
0x2c: {  	s15 =	sshll.u32 s14, $0xB  }
0x2d: {  	v0 =	vmov s15;
	_ =	sdelay $0x1  }
0x2e: {  	_ =	swait.ge [sflag:s4], $0x800  }
0x2f: {  	s31 =	sand.u32 $0x1, s11;
	[sflag:s4] =	ssyncset.done $0x0  }
0x30: {  	s17 =	simm.s32 $0x0;
	s14 =	smul.u32 $0x2040, s14;
	[sflag:s4] =	ssyncadd.s32 $0xFFFFF800  }
0x31: {  	s15 =	smul.u32 $0x2040, s31;
	v1 =	vld.idx.msk [tilespmem:v0+s17+$0x0 ss:$0x1], $0xffff;
	_ =	sdelay $0x1  }
0x32: {  	s14 =	sshrl.u32 s14, $0x2;
	s16 =	sshrl.u32 s15, $0x2  }
0x33: {  	s15 =	sor.u32 $0x1000, s14;
	s14 =	sor.u32 $0x1000, s16;
	s16 =	simm.s32 $0x40  }
.LBB1_3:
0x34: {  	s17 =	sshra.s32 s16, $0x2;
	p1 =	sne.s32 s16, $0x1FC0;
	s16 =	sadd.s32 $0x40, s16  }
.Ltmp3:
0x35: {  	[tilespmem:s15+$0x0 ss:$0x81] =	vst.msk $0xffff, v1;
	v1 =	vld.idx.msk [tilespmem:v0+s17+$0x0 ss:$0x1], $0xffff;
	(pc) =	sbr.rel @p1 .LBB1_3-.Ltmp3, $2  }
0x36: {  	_ =	sdelay $0x2  }
0x37: {  	s15 =	sadd.s32 $0x1, s15  }
.Ltmp4:
0x38: {  	_ = 	snop;
	(pc) =	sbr.rel .LBB1_4-.Ltmp4, $1  }
0x39: {  	_ =	sdelay $0x3  }
.LBB1_6:
0x3a: {  	_ =	sfence.sel $0x180000  }
0x3b: {  	s2 =	simm.s32 $0x1;
	[bflag:$0x0] =	sbarrier.arrive $0xFFFF  }
0x3c: {  	s31 =	simm.s32 $0x2;
	[sflag:s2] =	ssyncpa.u1 $0x1  }
0x3d: {  	[sflag:s31] =	ssyncpa.u1 $0x1  }
0x3e: {  	p0 =	sne.s32 s0, $0x0;
	_ =	strace $0x9000004A  }
0x3f: {  	s0 =	sadd.s32 @!p0 $0x100000, s1;
	[bflag:$0x2] =	sbarrier.arrive $0xFFFF  }
0x40: {  	[sflag:s0] =	ssyncadd.tile.s32 @!p0 $0x1;
	_ =	shalt  }
.Lfunc_end1:
_tile_overlayer_lowered:
.L_overlay_start_2:
0x41: {  	(tag) =	ssettag $0x2  }
0x42: {  	s0 =	rddreg [dreg:$0x0];
	s2 =	stileid.u32  }
0x43: {  	s1 =	rddreg [dreg:$0x1];
	p0 =	sne.s32 s2, $0x0  }
0x44: {  	s3 =	rddreg [dreg:$0x2];
	[bflag:$0x3] =	sbarrier.arrive $0xFFFF;
	s2 =	simm.s32 @!p0 $0x1C01  }
0x45: {  	[timem:s3], [sflag:s2] =	dma.local @!p0 [hbm:s0], s1  }
0x46: {  	s0 =	simm.s32 @!p0 $0x1  }
0x47: {  	_ =	swait.ge @!p0 [sflag:s0], s1  }
0x48: {  	s1 =	ssub.s32 @!p0 $0x0, s1;
	[sflag:s0] =	ssyncset.done @!p0 $0x0  }
0x49: {  	[sflag:s0] =	ssyncadd.s32 @!p0 s1  }
0x4a: {  	[bflag:$0x3] =	sbarrier.arrive $0xFFFF  }
0x4b: {  	_ =	shalt  }

</sc_bundles>
